<compile_context>
chip_gen: v7x
topology: tpu7x:2x2x1
jax: 0.10.2.dev20260603
libtpu: 0.0.44.dev20260713+nightly
codegen_flags: <defaults>
</compile_context>

<pallas_src>
import functools

import jax
import jax.numpy as jnp
from jax import lax
from jax.experimental import pallas as pl
from jax.experimental.pallas import tpu as pltpu
from jax.experimental.pallas import tpu_sc as plsc

N = 10000
DEG = 32
D = 128
E = N * DEG

NC = 2
NS = 16
NW = NC * NS
PER_W = E // NW
CH = 80
N_CHUNKS = PER_W // CH


def _linear_body(x_ref, w_ref, b_ref, ei_ref, o_ref, src_ref):
    acc = lax.dot_general(
        x_ref[...], w_ref[...],
        (((1,), (1,)), ((), ())),
        preferred_element_type=jnp.float32,
    )
    o_ref[...] = acc + b_ref[...]
    @pl.when(pl.program_id(0) == 0)
    def _():
        src_ref[...] = ei_ref[0, :]


def _linear(x, W, b, edge_index):
    BLK = 5000
    return pl.pallas_call(
        _linear_body,
        grid=(N // BLK,),
        in_specs=[
            pl.BlockSpec((BLK, D), lambda i: (i, 0)),
            pl.BlockSpec((D, D), lambda i: (0, 0)),
            pl.BlockSpec((1, D), lambda i: (0, 0)),
            pl.BlockSpec((2, E), lambda i: (0, 0)),
        ],
        out_specs=[
            pl.BlockSpec((BLK, D), lambda i: (i, 0)),
            pl.BlockSpec((E,), lambda i: (0,)),
        ],
        out_shape=[
            jax.ShapeDtypeStruct((N, D), jnp.float32),
            jax.ShapeDtypeStruct((E,), jnp.int32),
        ],
    )(x, W, b.reshape(1, D), edge_index)


NB = 4


@functools.cache
def _make_sc_gather():
    STEPS = (N_CHUNKS + NB - 1) // NB

    @functools.partial(
        pl.kernel,
        out_type=jax.ShapeDtypeStruct((E, D), jnp.float32),
        mesh=plsc.VectorSubcoreMesh(
            core_axis_name="c", subcore_axis_name="s",
            num_cores=NC, num_subcores=NS,
        ),
        scratch_types=[
            pltpu.VMEM((PER_W,), jnp.int32),
            [pltpu.VMEM((CH, D), jnp.float32) for _ in range(NB)],
            pltpu.VMEM_SHARED((N, D), jnp.float32),
            [pltpu.SemaphoreType.DMA for _ in range(NB)],
            [pltpu.SemaphoreType.DMA for _ in range(NB)],
        ],
    )
    def _sc_gather(y_hbm, src_hbm, out_hbm, idx_v, rows, y_sh, sg, ss):
        sub = lax.axis_index("s")
        wid = sub * NC + lax.axis_index("c")
        base = wid * PER_W
        pltpu.sync_copy(src_hbm.at[pl.ds(base, PER_W)], idx_v)
        @pl.when(sub < NS - 1)
        def _():
            pltpu.sync_copy(y_hbm.at[pl.ds(sub * 624, 624)],
                            y_sh.at[pl.ds(sub * 624, 624)])

        @pl.when(sub == NS - 1)
        def _():
            pltpu.sync_copy(y_hbm.at[pl.ds((NS - 1) * 624, N - (NS - 1) * 624)],
                            y_sh.at[pl.ds((NS - 1) * 624, N - (NS - 1) * 624)])

        plsc.subcore_barrier()

        def gather_start(c, b):
            pltpu.async_copy(y_sh.at[idx_v.at[pl.ds(c * CH, CH)]],
                             rows[b], sg[b])

        def gather_wait(c, b):
            pltpu.make_async_copy(y_sh.at[idx_v.at[pl.ds(c * CH, CH)]],
                                  rows[b], sg[b]).wait()

        def scatter_start(c, b):
            pltpu.async_copy(rows[b], out_hbm.at[pl.ds(base + c * CH, CH)],
                             ss[b])

        def scatter_wait(c, b):
            pltpu.make_async_copy(rows[b],
                                  out_hbm.at[pl.ds(base + c * CH, CH)],
                                  ss[b]).wait()

        def body(j, carry):
            for b in range(NB):
                c = NB * j + b

                @pl.when(jnp.logical_and(c >= NB, c < N_CHUNKS))
                def _():
                    scatter_wait(c - NB, b)

                @pl.when(c < N_CHUNKS)
                def _():
                    gather_start(c, b)

                cm = c - (NB - 1)
                bm = (b + 1) % NB

                @pl.when(jnp.logical_and(cm >= 0, cm < N_CHUNKS))
                def _():
                    gather_wait(cm, bm)
                    scatter_start(cm, bm)
            return carry

        lax.fori_loop(0, STEPS, body, 0)
        for cc in range(N_CHUNKS - NB, N_CHUNKS):
            scatter_wait(cc, cc % NB)

    return _sc_gather


def kernel(x, edge_index, W, b):
    y, src = _linear(x, W, b, edge_index)
    out = _make_sc_gather()(y, src)
    return out.reshape(N, DEG, D)

# --- scband reference (transcript-rebuilt; emitter-appended) ---
"""Pipeline reference for scband-diffusion-model-76802605187805 (READ-ONLY COPY).

The authoritative reference and input builder live on the scoring server;
editing this copy changes nothing except your own understanding.
"""

import jax, jax.numpy as jnp
import numpy as np

N = 10000
DEG = 32
D = 128
E = N * DEG


def setup_inputs(seed: int = 0) -> dict:
    key = jax.random.key(seed)
    k1, k2, k3 = jax.random.split(key, 3)
    x = jax.random.normal(k1, (N, D), dtype=jnp.float32)
    # NoAggGAT.forward reshapes per-edge messages to [n_unique_dst, max_count, C],
    # which is only valid when every destination node has identical in-degree.
    # Construct a degree-regular edge_index: dst = each node repeated DEG times.
    dst = jnp.repeat(jnp.arange(N, dtype=jnp.int32), DEG)
    src = jax.random.randint(k2, (E,), 0, N, dtype=jnp.int32)
    edge_index = jnp.stack([src, dst], axis=0)
    # nn.Linear(in_channels=128, out_channels=128) params
    kW, kb = jax.random.split(k3)
    bound = 1.0 / np.sqrt(D)
    W = jax.random.uniform(kW, (D, D), dtype=jnp.float32, minval=-bound, maxval=bound)
    b = jax.random.uniform(kb, (D,), dtype=jnp.float32, minval=-bound, maxval=bound)
    return {"x": x, "edge_index": edge_index, "W": W, "b": b}


def reference(x, edge_index, W, b):
    src = edge_index[0]
    dst = edge_index[1]
    # message: lin(x_j) on gathered source features (gather -> SparseCore)
    msgs = x[src] @ W.T + b  # [E, D]
    # aggregate is identity (aggr=None); forward then computes
    # unique(dst, return_counts=True) and reshapes to [n_unique, max_count, C]
    counts = jnp.bincount(dst, length=x.shape[0])
    n_unique = x.shape[0]
    max_count = edge_index.shape[1] // x.shape[0]
    out = msgs.reshape(n_unique, max_count, msgs.shape[1])
    return out

if __name__ == "__main__":
    import jax
    _d = setup_inputs()
    print(jax.jit(kernel)(*tuple(_d.values())))

</pallas_src>

<mosaic_0001>
#map = affine_map<(d0, d1) -> (0, 0)>
#map1 = affine_map<(d0, d1) -> (0)>
module attributes {stable_mosaic.version = 14 : i64} {
  func.func @_sc_gather(%arg0: i32, %arg1: i32, %arg2: memref<10000x128xf32, #tpu.memory_space<hbm>>, %arg3: memref<320000xi32, #tpu.memory_space<hbm>>, %arg4: memref<320000x128xf32, #tpu.memory_space<hbm>>, %arg5: memref<10000xi32, #tpu.memory_space<vmem>>, %arg6: memref<80x128xf32, #tpu.memory_space<vmem>>, %arg7: memref<80x128xf32, #tpu.memory_space<vmem>>, %arg8: memref<80x128xf32, #tpu.memory_space<vmem>>, %arg9: memref<80x128xf32, #tpu.memory_space<vmem>>, %arg10: memref<10000x128xf32, #tpu.memory_space<vmem_shared>>, %arg11: memref<!tpu.dma_semaphore, #tpu.memory_space<semaphore_mem>>, %arg12: memref<!tpu.dma_semaphore, #tpu.memory_space<semaphore_mem>>, %arg13: memref<!tpu.dma_semaphore, #tpu.memory_space<semaphore_mem>>, %arg14: memref<!tpu.dma_semaphore, #tpu.memory_space<semaphore_mem>>, %arg15: memref<!tpu.dma_semaphore, #tpu.memory_space<semaphore_mem>>, %arg16: memref<!tpu.dma_semaphore, #tpu.memory_space<semaphore_mem>>, %arg17: memref<!tpu.dma_semaphore, #tpu.memory_space<semaphore_mem>>, %arg18: memref<!tpu.dma_semaphore, #tpu.memory_space<semaphore_mem>>) attributes {dimension_semantics = [#tpu.dimension_semantics<core_parallel>, #tpu.dimension_semantics<subcore_parallel>], iteration_bounds = array<i64: 2, 16>, scalar_prefetch = 0 : i64, scratch_operands = 14 : i64, tpu.core_type = #tpu.core_type<sc_vector_subcore>, window_params = [{transform_indices = #map}, {transform_indices = #map1}, {transform_indices = #map}]} {
    %mul3A = arith.constant 2 : i32
    %mul3A_0 = arith.muli %arg1, %mul3A : i32
    %add3A = arith.addi %mul3A_0, %arg0 : i32
    %mul3A_1 = arith.constant 10000 : i32
    %mul3A_2 = arith.muli %add3A, %mul3A_1 : i32
    "tpu.region"() ({
      %run_scoped3A = tpu.sem_alloc : memref<!tpu.dma_semaphore, #tpu.memory_space<semaphore_mem>>
      %dma_start3A = tpu.memref_slice %arg3[%mul3A_2] : memref<320000xi32, #tpu.memory_space<hbm>> -> memref<10000xi32, #tpu.memory_space<hbm>>
      %dma_start3A_37 = tpu.memref_slice %arg3[%mul3A_2] : memref<320000xi32, #tpu.memory_space<hbm>> -> memref<10000xi32, #tpu.memory_space<hbm>>
      tpu.enqueue_dma source(%dma_start3A_37 : memref<10000xi32, #tpu.memory_space<hbm>>) target(%arg5 : memref<10000xi32, #tpu.memory_space<vmem>>) target_semaphore(%run_scoped3A : memref<!tpu.dma_semaphore, #tpu.memory_space<semaphore_mem>>)
      %dma_wait3A_38 = tpu.memref_slice %arg3[%mul3A_2] : memref<320000xi32, #tpu.memory_space<hbm>> -> memref<10000xi32, #tpu.memory_space<hbm>>
      %dma_wait3A_39 = tpu.memref_slice %arg3[%mul3A_2] : memref<320000xi32, #tpu.memory_space<hbm>> -> memref<10000xi32, #tpu.memory_space<hbm>>
      tpu.wait_dma2 semaphore(%run_scoped3A : memref<!tpu.dma_semaphore, #tpu.memory_space<semaphore_mem>>) src(%dma_wait3A_39 : memref<10000xi32, #tpu.memory_space<hbm>>) dst(%arg5 : memref<10000xi32, #tpu.memory_space<vmem>>)
      tpu.yield
    }) : () -> ()
    %lt3A = arith.constant 15 : i32
    %lt3A_3 = arith.cmpi slt, %arg1, %lt3A : i32
    %convert_element_type3A = arith.extui %lt3A_3 : i1 to i32
    %cond3A = arith.constant 0 : i32
    %cond3A_4 = arith.cmpi ne, %convert_element_type3A, %cond3A : i32
    scf.if %cond3A_4 {
      %mul3A_37 = arith.constant 624 : i32
      %mul3A_38 = arith.muli %arg1, %mul3A_37 : i32
      %mul3A_39 = arith.constant 624 : i32
      %mul3A_40 = arith.muli %arg1, %mul3A_39 : i32
      "tpu.region"() ({
        %run_scoped3A = tpu.sem_alloc : memref<!tpu.dma_semaphore, #tpu.memory_space<semaphore_mem>>
        %dma_start3A = arith.constant 0 : i32
        %dma_start3A_41 = tpu.memref_slice %arg10[%mul3A_40, %dma_start3A] : memref<10000x128xf32, #tpu.memory_space<vmem_shared>> -> memref<624x128xf32, #tpu.memory_space<vmem_shared>>
        %dma_start3A_42 = arith.constant 0 : i32
        %dma_start3A_43 = tpu.memref_slice %arg2[%mul3A_38, %dma_start3A_42] : memref<10000x128xf32, #tpu.memory_space<hbm>> -> memref<624x128xf32, #tpu.memory_space<hbm>>
        tpu.enqueue_dma source(%dma_start3A_43 : memref<624x128xf32, #tpu.memory_space<hbm>>) target(%dma_start3A_41 : memref<624x128xf32, #tpu.memory_space<vmem_shared>>) target_semaphore(%run_scoped3A : memref<!tpu.dma_semaphore, #tpu.memory_space<semaphore_mem>>)
        %dma_wait3A_44 = arith.constant 0 : i32
        %dma_wait3A_45 = tpu.memref_slice %arg10[%mul3A_40, %dma_wait3A_44] : memref<10000x128xf32, #tpu.memory_space<vmem_shared>> -> memref<624x128xf32, #tpu.memory_space<vmem_shared>>
        %dma_wait3A_46 = arith.constant 0 : i32
        %dma_wait3A_47 = tpu.memref_slice %arg2[%mul3A_38, %dma_wait3A_46] : memref<10000x128xf32, #tpu.memory_space<hbm>> -> memref<624x128xf32, #tpu.memory_space<hbm>>
        tpu.wait_dma2 semaphore(%run_scoped3A : memref<!tpu.dma_semaphore, #tpu.memory_space<semaphore_mem>>) src(%dma_wait3A_47 : memref<624x128xf32, #tpu.memory_space<hbm>>) dst(%dma_wait3A_45 : memref<624x128xf32, #tpu.memory_space<vmem_shared>>)
        tpu.yield
      }) : () -> ()
    } else {
    }
    %eq3A = arith.constant 15 : i32
    %eq3A_5 = arith.cmpi eq, %arg1, %eq3A : i32
    %convert_element_type3A_6 = arith.extui %eq3A_5 : i1 to i32
    %cond3A_7 = arith.constant 0 : i32
    %cond3A_8 = arith.cmpi ne, %convert_element_type3A_6, %cond3A_7 : i32
    scf.if %cond3A_8 {
      "tpu.region"() ({
        %run_scoped3A = tpu.sem_alloc : memref<!tpu.dma_semaphore, #tpu.memory_space<semaphore_mem>>
        %dma_start3A = arith.constant 9360 : i32
        %dma_start3A_37 = arith.constant 0 : i32
        %dma_start3A_38 = tpu.memref_slice %arg10[%dma_start3A, %dma_start3A_37] : memref<10000x128xf32, #tpu.memory_space<vmem_shared>> -> memref<640x128xf32, #tpu.memory_space<vmem_shared>>
        %dma_start3A_39 = arith.constant 9360 : i32
        %dma_start3A_40 = arith.constant 0 : i32
        %dma_start3A_41 = tpu.memref_slice %arg2[%dma_start3A_39, %dma_start3A_40] : memref<10000x128xf32, #tpu.memory_space<hbm>> -> memref<640x128xf32, #tpu.memory_space<hbm>>
        tpu.enqueue_dma source(%dma_start3A_41 : memref<640x128xf32, #tpu.memory_space<hbm>>) target(%dma_start3A_38 : memref<640x128xf32, #tpu.memory_space<vmem_shared>>) target_semaphore(%run_scoped3A : memref<!tpu.dma_semaphore, #tpu.memory_space<semaphore_mem>>)
        %dma_wait3A_42 = arith.constant 9360 : i32
        %dma_wait3A_43 = arith.constant 0 : i32
        %dma_wait3A_44 = tpu.memref_slice %arg10[%dma_wait3A_42, %dma_wait3A_43] : memref<10000x128xf32, #tpu.memory_space<vmem_shared>> -> memref<640x128xf32, #tpu.memory_space<vmem_shared>>
        %dma_wait3A_45 = arith.constant 9360 : i32
        %dma_wait3A_46 = arith.constant 0 : i32
        %dma_wait3A_47 = tpu.memref_slice %arg2[%dma_wait3A_45, %dma_wait3A_46] : memref<10000x128xf32, #tpu.memory_space<hbm>> -> memref<640x128xf32, #tpu.memory_space<hbm>>
        tpu.wait_dma2 semaphore(%run_scoped3A : memref<!tpu.dma_semaphore, #tpu.memory_space<semaphore_mem>>) src(%dma_wait3A_47 : memref<640x128xf32, #tpu.memory_space<hbm>>) dst(%dma_wait3A_44 : memref<640x128xf32, #tpu.memory_space<vmem_shared>>)
        tpu.yield
      }) : () -> ()
    } else {
    }
    %barrier3A = arith.constant 0 : index
    tpu.barrier barrier_id(%barrier3A)
    %scan3A = arith.constant 0 : i32
    %scan3A_9 = arith.constant 0 : i32
    %scan3A_10 = arith.constant 32 : i32
    %scan3A_11 = arith.addi %scan3A_9, %scan3A_10 : i32
    %scan3A_12 = arith.constant 1 : i32
    scf.for %scan3A_37 = %scan3A_9 to %scan3A_11 step %scan3A_12  : i32 {
      %mul3A_38 = arith.constant 4 : i32
      %mul3A_39 = arith.muli %mul3A_38, %scan3A_37 : i32
      %add3A_40 = arith.constant 0 : i32
      %add3A_41 = arith.addi %mul3A_39, %add3A_40 : i32
      %ge3A = arith.constant 4 : i32
      %ge3A_42 = arith.cmpi sge, %add3A_41, %ge3A : i32
      %lt3A_43 = arith.constant 125 : i32
      %lt3A_44 = arith.cmpi slt, %add3A_41, %lt3A_43 : i32
      %and3A = arith.andi %ge3A_42, %lt3A_44 : i1
      %convert_element_type3A_45 = arith.extui %and3A : i1 to i32
      %cond3A_46 = arith.constant 0 : i32
      %cond3A_47 = arith.cmpi ne, %convert_element_type3A_45, %cond3A_46 : i32
      scf.if %cond3A_47 {
        %sub3A_143 = arith.constant 4 : i32
        %sub3A_144 = arith.subi %add3A_41, %sub3A_143 : i32
        %mul3A_145 = arith.constant 80 : i32
        %mul3A_146 = arith.muli %sub3A_144, %mul3A_145 : i32
        %add3A_147 = arith.addi %mul3A_2, %mul3A_146 : i32
        %dma_wait3A_148 = arith.constant 0 : i32
        %dma_wait3A_149 = tpu.memref_slice %arg4[%add3A_147, %dma_wait3A_148] : memref<320000x128xf32, #tpu.memory_space<hbm>> -> memref<80x128xf32, #tpu.memory_space<hbm>>
        %dma_wait3A_150 = arith.constant 0 : i32
        %dma_wait3A_151 = tpu.memref_slice %arg4[%add3A_147, %dma_wait3A_150] : memref<320000x128xf32, #tpu.memory_space<hbm>> -> memref<80x128xf32, #tpu.memory_space<hbm>>
        tpu.wait_dma2 semaphore(%arg15 : memref<!tpu.dma_semaphore, #tpu.memory_space<semaphore_mem>>) src(%arg6 : memref<80x128xf32, #tpu.memory_space<vmem>>) dst(%dma_wait3A_151 : memref<80x128xf32, #tpu.memory_space<hbm>>)
      } else {
      }
      %lt3A_48 = arith.constant 125 : i32
      %lt3A_49 = arith.cmpi slt, %add3A_41, %lt3A_48 : i32
      %convert_element_type3A_50 = arith.extui %lt3A_49 : i1 to i32
      %cond3A_51 = arith.constant 0 : i32
      %cond3A_52 = arith.cmpi ne, %convert_element_type3A_50, %cond3A_51 : i32
      scf.if %cond3A_52 {
        %mul3A_143 = arith.constant 80 : i32
        %mul3A_144 = arith.muli %add3A_41, %mul3A_143 : i32
        %dma_start3A = tpu.memref_slice %arg5[%mul3A_144] : memref<10000xi32, #tpu.memory_space<vmem>> -> memref<80xi32, #tpu.memory_space<vmem>>
        %dma_start3A_145 = arith.constant 0 : i32
        %dma_start3A_146 = arith.constant 0 : i32
        %dma_start3A_147 = tpu.memref_slice %arg10[%dma_start3A_145, %dma_start3A_146] : memref<10000x128xf32, #tpu.memory_space<vmem_shared>> -> memref<10000x128xf32, #tpu.memory_space<vmem_shared>>
        tpu.enqueue_indirect_dma source(%dma_start3A_147 : memref<10000x128xf32, #tpu.memory_space<vmem_shared>>) target(%arg6 : memref<80x128xf32, #tpu.memory_space<vmem>>) offsets(%dma_start3A : memref<80xi32, #tpu.memory_space<vmem>>) semaphore(%arg11 : memref<!tpu.dma_semaphore, #tpu.memory_space<semaphore_mem>>)
      } else {
      }
      %sub3A = arith.constant 3 : i32
      %sub3A_53 = arith.subi %add3A_41, %sub3A : i32
      %ge3A_54 = arith.constant 0 : i32
      %ge3A_55 = arith.cmpi sge, %sub3A_53, %ge3A_54 : i32
      %lt3A_56 = arith.constant 125 : i32
      %lt3A_57 = arith.cmpi slt, %sub3A_53, %lt3A_56 : i32
      %and3A_58 = arith.andi %ge3A_55, %lt3A_57 : i1
      %convert_element_type3A_59 = arith.extui %and3A_58 : i1 to i32
      %cond3A_60 = arith.constant 0 : i32
      %cond3A_61 = arith.cmpi ne, %convert_element_type3A_59, %cond3A_60 : i32
      scf.if %cond3A_61 {
        %mul3A_143 = arith.constant 80 : i32
        %mul3A_144 = arith.muli %sub3A_53, %mul3A_143 : i32
        %dma_wait3A_145 = tpu.memref_slice %arg5[%mul3A_144] : memref<10000xi32, #tpu.memory_space<vmem>> -> memref<80xi32, #tpu.memory_space<vmem>>
        %dma_wait3A_146 = arith.constant 0 : i32
        %dma_wait3A_147 = arith.constant 0 : i32
        %dma_wait3A_148 = tpu.memref_slice %arg10[%dma_wait3A_146, %dma_wait3A_147] : memref<10000x128xf32, #tpu.memory_space<vmem_shared>> -> memref<10000x128xf32, #tpu.memory_space<vmem_shared>>
        tpu.wait_indirect_dma semaphore(%arg12 : memref<!tpu.dma_semaphore, #tpu.memory_space<semaphore_mem>>) src(%dma_wait3A_148 : memref<10000x128xf32, #tpu.memory_space<vmem_shared>>) dst(%arg7 : memref<80x128xf32, #tpu.memory_space<vmem>>)
        %mul3A_149 = arith.constant 80 : i32
        %mul3A_150 = arith.muli %sub3A_53, %mul3A_149 : i32
        %add3A_151 = arith.addi %mul3A_2, %mul3A_150 : i32
        %dma_start3A = arith.constant 0 : i32
        %dma_start3A_152 = tpu.memref_slice %arg4[%add3A_151, %dma_start3A] : memref<320000x128xf32, #tpu.memory_space<hbm>> -> memref<80x128xf32, #tpu.memory_space<hbm>>
        %dma_start3A_153 = arith.constant 0 : i32
        %dma_start3A_154 = tpu.memref_slice %arg4[%add3A_151, %dma_start3A_153] : memref<320000x128xf32, #tpu.memory_space<hbm>> -> memref<80x128xf32, #tpu.memory_space<hbm>>
        tpu.enqueue_dma source(%arg7 : memref<80x128xf32, #tpu.memory_space<vmem>>) target(%dma_start3A_154 : memref<80x128xf32, #tpu.memory_space<hbm>>) target_semaphore(%arg16 : memref<!tpu.dma_semaphore, #tpu.memory_space<semaphore_mem>>)
      } else {
      }
      %mul3A_62 = arith.constant 4 : i32
      %mul3A_63 = arith.muli %mul3A_62, %scan3A_37 : i32
      %add3A_64 = arith.constant 1 : i32
      %add3A_65 = arith.addi %mul3A_63, %add3A_64 : i32
      %ge3A_66 = arith.constant 4 : i32
      %ge3A_67 = arith.cmpi sge, %add3A_65, %ge3A_66 : i32
      %lt3A_68 = arith.constant 125 : i32
      %lt3A_69 = arith.cmpi slt, %add3A_65, %lt3A_68 : i32
      %and3A_70 = arith.andi %ge3A_67, %lt3A_69 : i1
      %convert_element_type3A_71 = arith.extui %and3A_70 : i1 to i32
      %cond3A_72 = arith.constant 0 : i32
      %cond3A_73 = arith.cmpi ne, %convert_element_type3A_71, %cond3A_72 : i32
      scf.if %cond3A_73 {
        %sub3A_143 = arith.constant 4 : i32
        %sub3A_144 = arith.subi %add3A_65, %sub3A_143 : i32
        %mul3A_145 = arith.constant 80 : i32
        %mul3A_146 = arith.muli %sub3A_144, %mul3A_145 : i32
        %add3A_147 = arith.addi %mul3A_2, %mul3A_146 : i32
        %dma_wait3A_148 = arith.constant 0 : i32
        %dma_wait3A_149 = tpu.memref_slice %arg4[%add3A_147, %dma_wait3A_148] : memref<320000x128xf32, #tpu.memory_space<hbm>> -> memref<80x128xf32, #tpu.memory_space<hbm>>
        %dma_wait3A_150 = arith.constant 0 : i32
        %dma_wait3A_151 = tpu.memref_slice %arg4[%add3A_147, %dma_wait3A_150] : memref<320000x128xf32, #tpu.memory_space<hbm>> -> memref<80x128xf32, #tpu.memory_space<hbm>>
        tpu.wait_dma2 semaphore(%arg16 : memref<!tpu.dma_semaphore, #tpu.memory_space<semaphore_mem>>) src(%arg7 : memref<80x128xf32, #tpu.memory_space<vmem>>) dst(%dma_wait3A_151 : memref<80x128xf32, #tpu.memory_space<hbm>>)
      } else {
      }
      %lt3A_74 = arith.constant 125 : i32
      %lt3A_75 = arith.cmpi slt, %add3A_65, %lt3A_74 : i32
      %convert_element_type3A_76 = arith.extui %lt3A_75 : i1 to i32
      %cond3A_77 = arith.constant 0 : i32
      %cond3A_78 = arith.cmpi ne, %convert_element_type3A_76, %cond3A_77 : i32
      scf.if %cond3A_78 {
        %mul3A_143 = arith.constant 80 : i32
        %mul3A_144 = arith.muli %add3A_65, %mul3A_143 : i32
        %dma_start3A = tpu.memref_slice %arg5[%mul3A_144] : memref<10000xi32, #tpu.memory_space<vmem>> -> memref<80xi32, #tpu.memory_space<vmem>>
        %dma_start3A_145 = arith.constant 0 : i32
        %dma_start3A_146 = arith.constant 0 : i32
        %dma_start3A_147 = tpu.memref_slice %arg10[%dma_start3A_145, %dma_start3A_146] : memref<10000x128xf32, #tpu.memory_space<vmem_shared>> -> memref<10000x128xf32, #tpu.memory_space<vmem_shared>>
        tpu.enqueue_indirect_dma source(%dma_start3A_147 : memref<10000x128xf32, #tpu.memory_space<vmem_shared>>) target(%arg7 : memref<80x128xf32, #tpu.memory_space<vmem>>) offsets(%dma_start3A : memref<80xi32, #tpu.memory_space<vmem>>) semaphore(%arg12 : memref<!tpu.dma_semaphore, #tpu.memory_space<semaphore_mem>>)
      } else {
      }
      %sub3A_79 = arith.constant 3 : i32
      %sub3A_80 = arith.subi %add3A_65, %sub3A_79 : i32
      %ge3A_81 = arith.constant 0 : i32
      %ge3A_82 = arith.cmpi sge, %sub3A_80, %ge3A_81 : i32
      %lt3A_83 = arith.constant 125 : i32
      %lt3A_84 = arith.cmpi slt, %sub3A_80, %lt3A_83 : i32
      %and3A_85 = arith.andi %ge3A_82, %lt3A_84 : i1
      %convert_element_type3A_86 = arith.extui %and3A_85 : i1 to i32
      %cond3A_87 = arith.constant 0 : i32
      %cond3A_88 = arith.cmpi ne, %convert_element_type3A_86, %cond3A_87 : i32
      scf.if %cond3A_88 {
        %mul3A_143 = arith.constant 80 : i32
        %mul3A_144 = arith.muli %sub3A_80, %mul3A_143 : i32
        %dma_wait3A_145 = tpu.memref_slice %arg5[%mul3A_144] : memref<10000xi32, #tpu.memory_space<vmem>> -> memref<80xi32, #tpu.memory_space<vmem>>
        %dma_wait3A_146 = arith.constant 0 : i32
        %dma_wait3A_147 = arith.constant 0 : i32
        %dma_wait3A_148 = tpu.memref_slice %arg10[%dma_wait3A_146, %dma_wait3A_147] : memref<10000x128xf32, #tpu.memory_space<vmem_shared>> -> memref<10000x128xf32, #tpu.memory_space<vmem_shared>>
        tpu.wait_indirect_dma semaphore(%arg13 : memref<!tpu.dma_semaphore, #tpu.memory_space<semaphore_mem>>) src(%dma_wait3A_148 : memref<10000x128xf32, #tpu.memory_space<vmem_shared>>) dst(%arg8 : memref<80x128xf32, #tpu.memory_space<vmem>>)
        %mul3A_149 = arith.constant 80 : i32
        %mul3A_150 = arith.muli %sub3A_80, %mul3A_149 : i32
        %add3A_151 = arith.addi %mul3A_2, %mul3A_150 : i32
        %dma_start3A = arith.constant 0 : i32
        %dma_start3A_152 = tpu.memref_slice %arg4[%add3A_151, %dma_start3A] : memref<320000x128xf32, #tpu.memory_space<hbm>> -> memref<80x128xf32, #tpu.memory_space<hbm>>
        %dma_start3A_153 = arith.constant 0 : i32
        %dma_start3A_154 = tpu.memref_slice %arg4[%add3A_151, %dma_start3A_153] : memref<320000x128xf32, #tpu.memory_space<hbm>> -> memref<80x128xf32, #tpu.memory_space<hbm>>
        tpu.enqueue_dma source(%arg8 : memref<80x128xf32, #tpu.memory_space<vmem>>) target(%dma_start3A_154 : memref<80x128xf32, #tpu.memory_space<hbm>>) target_semaphore(%arg17 : memref<!tpu.dma_semaphore, #tpu.memory_space<semaphore_mem>>)
      } else {
      }
      %mul3A_89 = arith.constant 4 : i32
      %mul3A_90 = arith.muli %mul3A_89, %scan3A_37 : i32
      %add3A_91 = arith.constant 2 : i32
      %add3A_92 = arith.addi %mul3A_90, %add3A_91 : i32
      %ge3A_93 = arith.constant 4 : i32
      %ge3A_94 = arith.cmpi sge, %add3A_92, %ge3A_93 : i32
      %lt3A_95 = arith.constant 125 : i32
      %lt3A_96 = arith.cmpi slt, %add3A_92, %lt3A_95 : i32
      %and3A_97 = arith.andi %ge3A_94, %lt3A_96 : i1
      %convert_element_type3A_98 = arith.extui %and3A_97 : i1 to i32
      %cond3A_99 = arith.constant 0 : i32
      %cond3A_100 = arith.cmpi ne, %convert_element_type3A_98, %cond3A_99 : i32
      scf.if %cond3A_100 {
        %sub3A_143 = arith.constant 4 : i32
        %sub3A_144 = arith.subi %add3A_92, %sub3A_143 : i32
        %mul3A_145 = arith.constant 80 : i32
        %mul3A_146 = arith.muli %sub3A_144, %mul3A_145 : i32
        %add3A_147 = arith.addi %mul3A_2, %mul3A_146 : i32
        %dma_wait3A_148 = arith.constant 0 : i32
        %dma_wait3A_149 = tpu.memref_slice %arg4[%add3A_147, %dma_wait3A_148] : memref<320000x128xf32, #tpu.memory_space<hbm>> -> memref<80x128xf32, #tpu.memory_space<hbm>>
        %dma_wait3A_150 = arith.constant 0 : i32
        %dma_wait3A_151 = tpu.memref_slice %arg4[%add3A_147, %dma_wait3A_150] : memref<320000x128xf32, #tpu.memory_space<hbm>> -> memref<80x128xf32, #tpu.memory_space<hbm>>
        tpu.wait_dma2 semaphore(%arg17 : memref<!tpu.dma_semaphore, #tpu.memory_space<semaphore_mem>>) src(%arg8 : memref<80x128xf32, #tpu.memory_space<vmem>>) dst(%dma_wait3A_151 : memref<80x128xf32, #tpu.memory_space<hbm>>)
      } else {
      }
      %lt3A_101 = arith.constant 125 : i32
      %lt3A_102 = arith.cmpi slt, %add3A_92, %lt3A_101 : i32
      %convert_element_type3A_103 = arith.extui %lt3A_102 : i1 to i32
      %cond3A_104 = arith.constant 0 : i32
      %cond3A_105 = arith.cmpi ne, %convert_element_type3A_103, %cond3A_104 : i32
      scf.if %cond3A_105 {
        %mul3A_143 = arith.constant 80 : i32
        %mul3A_144 = arith.muli %add3A_92, %mul3A_143 : i32
        %dma_start3A = tpu.memref_slice %arg5[%mul3A_144] : memref<10000xi32, #tpu.memory_space<vmem>> -> memref<80xi32, #tpu.memory_space<vmem>>
        %dma_start3A_145 = arith.constant 0 : i32
        %dma_start3A_146 = arith.constant 0 : i32
        %dma_start3A_147 = tpu.memref_slice %arg10[%dma_start3A_145, %dma_start3A_146] : memref<10000x128xf32, #tpu.memory_space<vmem_shared>> -> memref<10000x128xf32, #tpu.memory_space<vmem_shared>>
        tpu.enqueue_indirect_dma source(%dma_start3A_147 : memref<10000x128xf32, #tpu.memory_space<vmem_shared>>) target(%arg8 : memref<80x128xf32, #tpu.memory_space<vmem>>) offsets(%dma_start3A : memref<80xi32, #tpu.memory_space<vmem>>) semaphore(%arg13 : memref<!tpu.dma_semaphore, #tpu.memory_space<semaphore_mem>>)
      } else {
      }
      %sub3A_106 = arith.constant 3 : i32
      %sub3A_107 = arith.subi %add3A_92, %sub3A_106 : i32
      %ge3A_108 = arith.constant 0 : i32
      %ge3A_109 = arith.cmpi sge, %sub3A_107, %ge3A_108 : i32
      %lt3A_110 = arith.constant 125 : i32
      %lt3A_111 = arith.cmpi slt, %sub3A_107, %lt3A_110 : i32
      %and3A_112 = arith.andi %ge3A_109, %lt3A_111 : i1
      %convert_element_type3A_113 = arith.extui %and3A_112 : i1 to i32
      %cond3A_114 = arith.constant 0 : i32
      %cond3A_115 = arith.cmpi ne, %convert_element_type3A_113, %cond3A_114 : i32
      scf.if %cond3A_115 {
        %mul3A_143 = arith.constant 80 : i32
        %mul3A_144 = arith.muli %sub3A_107, %mul3A_143 : i32
        %dma_wait3A_145 = tpu.memref_slice %arg5[%mul3A_144] : memref<10000xi32, #tpu.memory_space<vmem>> -> memref<80xi32, #tpu.memory_space<vmem>>
        %dma_wait3A_146 = arith.constant 0 : i32
        %dma_wait3A_147 = arith.constant 0 : i32
        %dma_wait3A_148 = tpu.memref_slice %arg10[%dma_wait3A_146, %dma_wait3A_147] : memref<10000x128xf32, #tpu.memory_space<vmem_shared>> -> memref<10000x128xf32, #tpu.memory_space<vmem_shared>>
        tpu.wait_indirect_dma semaphore(%arg14 : memref<!tpu.dma_semaphore, #tpu.memory_space<semaphore_mem>>) src(%dma_wait3A_148 : memref<10000x128xf32, #tpu.memory_space<vmem_shared>>) dst(%arg9 : memref<80x128xf32, #tpu.memory_space<vmem>>)
        %mul3A_149 = arith.constant 80 : i32
        %mul3A_150 = arith.muli %sub3A_107, %mul3A_149 : i32
        %add3A_151 = arith.addi %mul3A_2, %mul3A_150 : i32
        %dma_start3A = arith.constant 0 : i32
        %dma_start3A_152 = tpu.memref_slice %arg4[%add3A_151, %dma_start3A] : memref<320000x128xf32, #tpu.memory_space<hbm>> -> memref<80x128xf32, #tpu.memory_space<hbm>>
        %dma_start3A_153 = arith.constant 0 : i32
        %dma_start3A_154 = tpu.memref_slice %arg4[%add3A_151, %dma_start3A_153] : memref<320000x128xf32, #tpu.memory_space<hbm>> -> memref<80x128xf32, #tpu.memory_space<hbm>>
        tpu.enqueue_dma source(%arg9 : memref<80x128xf32, #tpu.memory_space<vmem>>) target(%dma_start3A_154 : memref<80x128xf32, #tpu.memory_space<hbm>>) target_semaphore(%arg18 : memref<!tpu.dma_semaphore, #tpu.memory_space<semaphore_mem>>)
      } else {
      }
      %mul3A_116 = arith.constant 4 : i32
      %mul3A_117 = arith.muli %mul3A_116, %scan3A_37 : i32
      %add3A_118 = arith.constant 3 : i32
      %add3A_119 = arith.addi %mul3A_117, %add3A_118 : i32
      %ge3A_120 = arith.constant 4 : i32
      %ge3A_121 = arith.cmpi sge, %add3A_119, %ge3A_120 : i32
      %lt3A_122 = arith.constant 125 : i32
      %lt3A_123 = arith.cmpi slt, %add3A_119, %lt3A_122 : i32
      %and3A_124 = arith.andi %ge3A_121, %lt3A_123 : i1
      %convert_element_type3A_125 = arith.extui %and3A_124 : i1 to i32
      %cond3A_126 = arith.constant 0 : i32
      %cond3A_127 = arith.cmpi ne, %convert_element_type3A_125, %cond3A_126 : i32
      scf.if %cond3A_127 {
        %sub3A_143 = arith.constant 4 : i32
        %sub3A_144 = arith.subi %add3A_119, %sub3A_143 : i32
        %mul3A_145 = arith.constant 80 : i32
        %mul3A_146 = arith.muli %sub3A_144, %mul3A_145 : i32
        %add3A_147 = arith.addi %mul3A_2, %mul3A_146 : i32
        %dma_wait3A_148 = arith.constant 0 : i32
        %dma_wait3A_149 = tpu.memref_slice %arg4[%add3A_147, %dma_wait3A_148] : memref<320000x128xf32, #tpu.memory_space<hbm>> -> memref<80x128xf32, #tpu.memory_space<hbm>>
        %dma_wait3A_150 = arith.constant 0 : i32
        %dma_wait3A_151 = tpu.memref_slice %arg4[%add3A_147, %dma_wait3A_150] : memref<320000x128xf32, #tpu.memory_space<hbm>> -> memref<80x128xf32, #tpu.memory_space<hbm>>
        tpu.wait_dma2 semaphore(%arg18 : memref<!tpu.dma_semaphore, #tpu.memory_space<semaphore_mem>>) src(%arg9 : memref<80x128xf32, #tpu.memory_space<vmem>>) dst(%dma_wait3A_151 : memref<80x128xf32, #tpu.memory_space<hbm>>)
      } else {
      }
      %lt3A_128 = arith.constant 125 : i32
      %lt3A_129 = arith.cmpi slt, %add3A_119, %lt3A_128 : i32
      %convert_element_type3A_130 = arith.extui %lt3A_129 : i1 to i32
      %cond3A_131 = arith.constant 0 : i32
      %cond3A_132 = arith.cmpi ne, %convert_element_type3A_130, %cond3A_131 : i32
      scf.if %cond3A_132 {
        %mul3A_143 = arith.constant 80 : i32
        %mul3A_144 = arith.muli %add3A_119, %mul3A_143 : i32
        %dma_start3A = tpu.memref_slice %arg5[%mul3A_144] : memref<10000xi32, #tpu.memory_space<vmem>> -> memref<80xi32, #tpu.memory_space<vmem>>
        %dma_start3A_145 = arith.constant 0 : i32
        %dma_start3A_146 = arith.constant 0 : i32
        %dma_start3A_147 = tpu.memref_slice %arg10[%dma_start3A_145, %dma_start3A_146] : memref<10000x128xf32, #tpu.memory_space<vmem_shared>> -> memref<10000x128xf32, #tpu.memory_space<vmem_shared>>
        tpu.enqueue_indirect_dma source(%dma_start3A_147 : memref<10000x128xf32, #tpu.memory_space<vmem_shared>>) target(%arg9 : memref<80x128xf32, #tpu.memory_space<vmem>>) offsets(%dma_start3A : memref<80xi32, #tpu.memory_space<vmem>>) semaphore(%arg14 : memref<!tpu.dma_semaphore, #tpu.memory_space<semaphore_mem>>)
      } else {
      }
      %sub3A_133 = arith.constant 3 : i32
      %sub3A_134 = arith.subi %add3A_119, %sub3A_133 : i32
      %ge3A_135 = arith.constant 0 : i32
      %ge3A_136 = arith.cmpi sge, %sub3A_134, %ge3A_135 : i32
      %lt3A_137 = arith.constant 125 : i32
      %lt3A_138 = arith.cmpi slt, %sub3A_134, %lt3A_137 : i32
      %and3A_139 = arith.andi %ge3A_136, %lt3A_138 : i1
      %convert_element_type3A_140 = arith.extui %and3A_139 : i1 to i32
      %cond3A_141 = arith.constant 0 : i32
      %cond3A_142 = arith.cmpi ne, %convert_element_type3A_140, %cond3A_141 : i32
      scf.if %cond3A_142 {
        %mul3A_143 = arith.constant 80 : i32
        %mul3A_144 = arith.muli %sub3A_134, %mul3A_143 : i32
        %dma_wait3A_145 = tpu.memref_slice %arg5[%mul3A_144] : memref<10000xi32, #tpu.memory_space<vmem>> -> memref<80xi32, #tpu.memory_space<vmem>>
        %dma_wait3A_146 = arith.constant 0 : i32
        %dma_wait3A_147 = arith.constant 0 : i32
        %dma_wait3A_148 = tpu.memref_slice %arg10[%dma_wait3A_146, %dma_wait3A_147] : memref<10000x128xf32, #tpu.memory_space<vmem_shared>> -> memref<10000x128xf32, #tpu.memory_space<vmem_shared>>
        tpu.wait_indirect_dma semaphore(%arg11 : memref<!tpu.dma_semaphore, #tpu.memory_space<semaphore_mem>>) src(%dma_wait3A_148 : memref<10000x128xf32, #tpu.memory_space<vmem_shared>>) dst(%arg6 : memref<80x128xf32, #tpu.memory_space<vmem>>)
        %mul3A_149 = arith.constant 80 : i32
        %mul3A_150 = arith.muli %sub3A_134, %mul3A_149 : i32
        %add3A_151 = arith.addi %mul3A_2, %mul3A_150 : i32
        %dma_start3A = arith.constant 0 : i32
        %dma_start3A_152 = tpu.memref_slice %arg4[%add3A_151, %dma_start3A] : memref<320000x128xf32, #tpu.memory_space<hbm>> -> memref<80x128xf32, #tpu.memory_space<hbm>>
        %dma_start3A_153 = arith.constant 0 : i32
        %dma_start3A_154 = tpu.memref_slice %arg4[%add3A_151, %dma_start3A_153] : memref<320000x128xf32, #tpu.memory_space<hbm>> -> memref<80x128xf32, #tpu.memory_space<hbm>>
        tpu.enqueue_dma source(%arg6 : memref<80x128xf32, #tpu.memory_space<vmem>>) target(%dma_start3A_154 : memref<80x128xf32, #tpu.memory_space<hbm>>) target_semaphore(%arg15 : memref<!tpu.dma_semaphore, #tpu.memory_space<semaphore_mem>>)
      } else {
      }
    }
    %scan3A_13 = arith.constant 32 : i32
    %add3A_14 = arith.constant 9680 : i32
    %add3A_15 = arith.addi %mul3A_2, %add3A_14 : i32
    %dma_wait3A = arith.constant 0 : i32
    %dma_wait3A_16 = tpu.memref_slice %arg4[%add3A_15, %dma_wait3A] : memref<320000x128xf32, #tpu.memory_space<hbm>> -> memref<80x128xf32, #tpu.memory_space<hbm>>
    %dma_wait3A_17 = arith.constant 0 : i32
    %dma_wait3A_18 = tpu.memref_slice %arg4[%add3A_15, %dma_wait3A_17] : memref<320000x128xf32, #tpu.memory_space<hbm>> -> memref<80x128xf32, #tpu.memory_space<hbm>>
    tpu.wait_dma2 semaphore(%arg16 : memref<!tpu.dma_semaphore, #tpu.memory_space<semaphore_mem>>) src(%arg7 : memref<80x128xf32, #tpu.memory_space<vmem>>) dst(%dma_wait3A_18 : memref<80x128xf32, #tpu.memory_space<hbm>>)
    %add3A_19 = arith.constant 9760 : i32
    %add3A_20 = arith.addi %mul3A_2, %add3A_19 : i32
    %dma_wait3A_21 = arith.constant 0 : i32
    %dma_wait3A_22 = tpu.memref_slice %arg4[%add3A_20, %dma_wait3A_21] : memref<320000x128xf32, #tpu.memory_space<hbm>> -> memref<80x128xf32, #tpu.memory_space<hbm>>
    %dma_wait3A_23 = arith.constant 0 : i32
    %dma_wait3A_24 = tpu.memref_slice %arg4[%add3A_20, %dma_wait3A_23] : memref<320000x128xf32, #tpu.memory_space<hbm>> -> memref<80x128xf32, #tpu.memory_space<hbm>>
    tpu.wait_dma2 semaphore(%arg17 : memref<!tpu.dma_semaphore, #tpu.memory_space<semaphore_mem>>) src(%arg8 : memref<80x128xf32, #tpu.memory_space<vmem>>) dst(%dma_wait3A_24 : memref<80x128xf32, #tpu.memory_space<hbm>>)
    %add3A_25 = arith.constant 9840 : i32
    %add3A_26 = arith.addi %mul3A_2, %add3A_25 : i32
    %dma_wait3A_27 = arith.constant 0 : i32
    %dma_wait3A_28 = tpu.memref_slice %arg4[%add3A_26, %dma_wait3A_27] : memref<320000x128xf32, #tpu.memory_space<hbm>> -> memref<80x128xf32, #tpu.memory_space<hbm>>
    %dma_wait3A_29 = arith.constant 0 : i32
    %dma_wait3A_30 = tpu.memref_slice %arg4[%add3A_26, %dma_wait3A_29] : memref<320000x128xf32, #tpu.memory_space<hbm>> -> memref<80x128xf32, #tpu.memory_space<hbm>>
    tpu.wait_dma2 semaphore(%arg18 : memref<!tpu.dma_semaphore, #tpu.memory_space<semaphore_mem>>) src(%arg9 : memref<80x128xf32, #tpu.memory_space<vmem>>) dst(%dma_wait3A_30 : memref<80x128xf32, #tpu.memory_space<hbm>>)
    %add3A_31 = arith.constant 9920 : i32
    %add3A_32 = arith.addi %mul3A_2, %add3A_31 : i32
    %dma_wait3A_33 = arith.constant 0 : i32
    %dma_wait3A_34 = tpu.memref_slice %arg4[%add3A_32, %dma_wait3A_33] : memref<320000x128xf32, #tpu.memory_space<hbm>> -> memref<80x128xf32, #tpu.memory_space<hbm>>
    %dma_wait3A_35 = arith.constant 0 : i32
    %dma_wait3A_36 = tpu.memref_slice %arg4[%add3A_32, %dma_wait3A_35] : memref<320000x128xf32, #tpu.memory_space<hbm>> -> memref<80x128xf32, #tpu.memory_space<hbm>>
    tpu.wait_dma2 semaphore(%arg15 : memref<!tpu.dma_semaphore, #tpu.memory_space<semaphore_mem>>) src(%arg6 : memref<80x128xf32, #tpu.memory_space<vmem>>) dst(%dma_wait3A_36 : memref<80x128xf32, #tpu.memory_space<hbm>>)
    return
  }
}

module attributes {stable_mosaic.version = 14 : i64} {
  func.func @_linear_body(%arg0: i32, %arg1: memref<5000x128xf32, #tpu.memory_space<vmem>>, %arg2: memref<128x128xf32, #tpu.memory_space<vmem>>, %arg3: memref<1x128xf32, #tpu.memory_space<vmem>>, %arg4: memref<2x320000xi32, #tpu.memory_space<vmem>>, %arg5: memref<5000x128xf32, #tpu.memory_space<vmem>>, %arg6: memref<320000xi32, #tpu.memory_space<vmem>>) attributes {dimension_semantics = [#tpu.dimension_semantics<arbitrary>], iteration_bounds = array<i64: 2>, scalar_prefetch = 0 : i64, scratch_operands = 0 : i64, tpu.core_type = #tpu.core_type<tc>, window_params = [{transform_indices = @transform_0, window_bounds = array<i64: 5000, 128>}, {pipeline_mode = #tpu.pipeline_mode<synchronous>, transform_indices = @transform_1, window_bounds = array<i64: 128, 128>}, {pipeline_mode = #tpu.pipeline_mode<synchronous>, transform_indices = @transform_2, window_bounds = array<i64: 1, 128>}, {pipeline_mode = #tpu.pipeline_mode<synchronous>, transform_indices = @transform_3, window_bounds = array<i64: 2, 320000>}, {transform_indices = @transform_4, window_bounds = array<i64: 5000, 128>}, {pipeline_mode = #tpu.pipeline_mode<synchronous>, transform_indices = @transform_5, window_bounds = array<i64: 320000>}]} {
    %get3A = arith.constant 0 : index
    %get3A_0 = arith.constant 0 : index
    %get3A_1 = vector.load %arg1[%get3A, %get3A_0] : memref<5000x128xf32, #tpu.memory_space<vmem>>, vector<5000x128xf32>
    %get3A_2 = arith.constant 0 : index
    %get3A_3 = arith.constant 0 : index
    %get3A_4 = vector.load %arg2[%get3A_2, %get3A_3] : memref<128x128xf32, #tpu.memory_space<vmem>>, vector<128x128xf32>
    %dot_general3A = arith.constant dense<0.000000e+00> : vector<5000x128xf32>
    %dot_general3A_5 = tpu.matmul %get3A_1, %get3A_4, %dot_general3A {dimension_numbers = #tpu.dot_dimension_numbers<[1], [1], [0], [0], [0, 0, 1, 0], [], []>, transpose_lhs_hint = false} : vector<5000x128xf32>, vector<128x128xf32>, vector<5000x128xf32> -> vector<5000x128xf32>
    %get3A_6 = arith.constant 0 : index
    %get3A_7 = arith.constant 0 : index
    %get3A_8 = vector.load %arg3[%get3A_6, %get3A_7] : memref<1x128xf32, #tpu.memory_space<vmem>>, vector<1x128xf32>
    %add3A = vector.broadcast %get3A_8 : vector<1x128xf32> to vector<5000x128xf32>
    %add3A_9 = arith.addf %dot_general3A_5, %add3A : vector<5000x128xf32>
    %swap3A = arith.constant 0 : index
    %swap3A_10 = arith.constant 0 : index
    %swap3A_11 = vector.load %arg5[%swap3A, %swap3A_10] : memref<5000x128xf32, #tpu.memory_space<vmem>>, vector<5000x128xf32>
    tpu.vector_store %arg5[%swap3A, %swap3A_10], %add3A_9 {strides = array<i32>} : memref<5000x128xf32, #tpu.memory_space<vmem>>, vector<5000x128xf32>,
    %eq3A = arith.constant 0 : i32
    %eq3A_12 = arith.cmpi eq, %arg0, %eq3A : i32
    %convert_element_type3A = arith.extui %eq3A_12 : i1 to i32
    %cond3A = arith.constant 0 : i32
    %cond3A_13 = arith.cmpi ne, %convert_element_type3A, %cond3A : i32
    scf.if %cond3A_13 {
      %get3A_14 = arith.constant 0 : index
      %get3A_15 = arith.constant 0 : index
      %get3A_16 = vector.load %arg4[%get3A_14, %get3A_15] : memref<2x320000xi32, #tpu.memory_space<vmem>>, vector<1x320000xi32>
      %get3A_17 = vector.shape_cast %get3A_16 : vector<1x320000xi32> to vector<320000xi32>
      %swap3A_18 = arith.constant 0 : index
      %swap3A_19 = vector.load %arg6[%swap3A_18] : memref<320000xi32, #tpu.memory_space<vmem>>, vector<320000xi32>
      tpu.vector_store %arg6[%swap3A_18], %get3A_17 {strides = array<i32>} : memref<320000xi32, #tpu.memory_space<vmem>>, vector<320000xi32>,
    } else {
    }
    return
  }
  func.func @transform_0(%arg0: i32) -> (i32, i32) {
    %c0_i32 = arith.constant 0 : i32
    %c0_i32_0 = arith.constant 0 : i32
    return %arg0, %c0_i32 : i32, i32
  }
  func.func @transform_1(%arg0: i32) -> (i32, i32) {
    %c0_i32 = arith.constant 0 : i32
    %c0_i32_0 = arith.constant 0 : i32
    %c0_i32_1 = arith.constant 0 : i32
    return %c0_i32, %c0_i32_0 : i32, i32
  }
  func.func @transform_2(%arg0: i32) -> (i32, i32) {
    %c0_i32 = arith.constant 0 : i32
    %c0_i32_0 = arith.constant 0 : i32
    %c0_i32_1 = arith.constant 0 : i32
    return %c0_i32, %c0_i32_0 : i32, i32
  }
  func.func @transform_3(%arg0: i32) -> (i32, i32) {
    %c0_i32 = arith.constant 0 : i32
    %c0_i32_0 = arith.constant 0 : i32
    %c0_i32_1 = arith.constant 0 : i32
    return %c0_i32, %c0_i32_0 : i32, i32
  }
  func.func @transform_4(%arg0: i32) -> (i32, i32) {
    %c0_i32 = arith.constant 0 : i32
    %c0_i32_0 = arith.constant 0 : i32
    return %arg0, %c0_i32 : i32, i32
  }
  func.func @transform_5(%arg0: i32) -> i32 {
    %c0_i32 = arith.constant 0 : i32
    %c0_i32_0 = arith.constant 0 : i32
    return %c0_i32 : i32
  }
}

</mosaic_0001>

<sc_bundles>
// kernel: kernel.4.cloned.1.call-start
scs
__scs_entry_jumppad:
0x0: {  	(pc) =	sbr.rel $0x88, $3  }
0x1: {  	(tag) =	ssettag $0x0;
	lr =	simm.s32 $0x1  }
0x2: {  	[smem:$0x3F9D] =	sst lr;
	_ =	strace $0xD0000000  }
0x3: {  	_ = 	snop  }
0x4: {  	_ = 	snop  }
0x5: {  	_ = 	snop  }
0x6: {  	_ = 	snop  }
0x7: {  	_ = 	snop  }
__scs_overlays_trampoline_lowered:
0x8: {  	[smem:$0x3FAC] =	sst s0  }
0x9: {  	[smem:$0x3FAD] =	sst s1  }
0xa: {  	[smem:$0x3FAE] =	sst s2  }
0xb: {  	[smem:$0x3FAF] =	sst s3  }
0xc: {  	[smem:$0x3FB0] =	sst s4  }
0xd: {  	[smem:$0x3FB1] =	sst s5  }
0xe: {  	[smem:$0x3FB2] =	sst s6  }
0xf: {  	[smem:$0x3FB3] =	sst s7  }
0x10: {  	[smem:$0x3FB4] =	sst s8  }
0x11: {  	[smem:$0x3FB5] =	sst s9;
	s0 =	simm.s32 @!p0 $0x0  }
0x12: {  	s1 =	sld [smem:$0x3F9B];
	s0 =	simm.s32 @p0 $0x1  }
0x13: {  	[smem:$0x3FB6] =	sst s0;
	s0 =	simm.s32 @!p1 $0x0  }
0x14: {  	s2 =	sld [smem:$0x3F9A];
	s0 =	simm.s32 @p1 $0x1  }
0x15: {  	[smem:$0x3FB7] =	sst s0;
	s0 =	simm.s32 @!p2 $0x0  }
0x16: {  	s3 =	sld [smem:$0x3FDB];
	s0 =	simm.s32 @p2 $0x1  }
0x17: {  	s4 =	simm.s32 $0x1BF5;
	[smem:$0x3FB9] =	sst s0  }
0x18: {  	s0 =	sld [smem:$0x3F9C];
	_ =	swait.ge [sflag:s4], $0x0  }
0x19: {  	s7 =	sld [smem:$0x3F9D]  }
0x1a: {  	s8 =	sadd.s32 $0xFFFFE003, lr  }
0x1b: {  	s9 =	sadd.s32 $0xFFFFFEF7, lr;
	s5 =	simm.s32 $0xFFFFFFFF;
	p2 =	slt.u32 s8, $0xFFFFF086  }
0x1c: {  	p1 =	slt.u32 s9, $0xF7A;
	s5 =	simm.s32 @!p2 $0x0  }
0x1d: {  	s5 =	simm.s32 @p1 $0x1;
	p0 =	seq.s32 s7, s2  }
0x1e: {  	s7 =	smul.u32 @!p0 $0xF7A, s2;
	p2 =	seq.s32 @!p0 s5, $0x0  }
0x1f: {  	s9 =	smul.u32 $0xF7A, s1;
	s8 =	simm.s32 @!p0 $0x1BF5;
	p2 =	por !p2, p0  }
0x20: {  	[sflag:s8] =	ssyncset.s32 @!p0 $0xFFFFF086;
	s6 =	sadd.s32 @!p0 s3, s7;
	s7 =	simm.s32 @!p0 $0x108  }
0x21: {  	s3 =	sadd.s32 s3, s9;
	s6 =	sadd.s32 @!p0 $0x88, s6;
	s7 =	simm.s32 @p2 $0x1082  }
0x22: {  	[simem:s7], [sflag:s8] =	dma.local @!p0 [hbm:s6], $0xF7A  }
0x23: {  	s9 =	sor.u32 $0xD0000000, s2;
	s6 =	simm.s32 $0x108;
	_ =	swait.ge @!p0 [sflag:s8], $0x0  }
0x24: {  	s3 =	sadd.s32 $0x88, s3;
	s6 =	simm.s32 @!p1 $0x1082;
	[sflag:s4] =	ssyncset.s32 $0xFFFFF086  }
0x25: {  	[simem:s6], [sflag:s4] =	dma.local [hbm:s3], $0xF7A  }
0x26: {  	[smem:$0x3F9D] =	sst s1;
	(tag) =	ssettag s2;
	_ =	strace s9  }
0x27: {  	s1 =	sld [smem:$0x3FAD]  }
0x28: {  	s2 =	sld [smem:$0x3FAE]  }
0x29: {  	s4 =	sld [smem:$0x3FB0]  }
0x2a: {  	p0 =	seq.s32 s5, $0x0;
	s5 =	sld [smem:$0x3FB1]  }
0x2b: {  	s6 =	sld [smem:$0x3FB2]  }
0x2c: {  	s7 =	sld [smem:$0x3FB3]  }
0x2d: {  	s3 =	simm.s32 $0x108;
	s8 =	sld [smem:$0x3FB4]  }
0x2e: {  	s3 =	simm.s32 @!p0 $0x1082;
	s9 =	sld [smem:$0x3FB5]  }
0x2f: {  	lr =	sadd.s32 s0, s3;
	s0 =	sld [smem:$0x3FAC]  }
0x30: {  	s3 =	sld [smem:$0x3FAF]  }
0x31: {  	[smem:$0x3FB8] =	sst s10  }
0x32: {  	s10 =	sld [smem:$0x3FB6];
	_ =	sdelay $0x3  }
0x33: {  	p0 =	seq.s32 s10, $0x1;
	s10 =	sld [smem:$0x3FB8];
	_ =	sdelay $0x3  }
0x34: {  	[smem:$0x3FB8] =	sst s10  }
0x35: {  	s10 =	sld [smem:$0x3FB7];
	_ =	sdelay $0x3  }
0x36: {  	p1 =	seq.s32 s10, $0x1;
	s10 =	sld [smem:$0x3FB8];
	_ =	sdelay $0x3  }
0x37: {  	[smem:$0x3FB8] =	sst s10  }
0x38: {  	s10 =	sld [smem:$0x3FB9]  }
0x39: {  	_ = 	snop;
	(pc) =	sbr.ind lr, $3  }
0x3a: {  	_ = 	snop  }
0x3b: {  	_ = 	snop  }
0x3c: {  	p2 =	seq.s32 s10, $0x1;
	s10 =	sld [smem:$0x3FB8]  }
0x3d: {  	_ =	shalt  }
0x3e: {  	_ =	shalt  }
0x3f: {  	_ =	shalt  }
0x40: {  	_ =	shalt  }
0x41: {  	_ =	shalt  }
0x42: {  	_ =	shalt  }
0x43: {  	_ =	shalt  }
0x44: {  	_ =	shalt  }
0x45: {  	_ =	shalt  }
0x46: {  	_ =	shalt  }
0x47: {  	_ =	shalt  }
0x48: {  	_ =	shalt  }
0x49: {  	_ =	shalt  }
0x4a: {  	_ =	shalt  }
0x4b: {  	_ =	shalt  }
0x4c: {  	_ =	shalt  }
0x4d: {  	_ =	shalt  }
0x4e: {  	_ =	shalt  }
0x4f: {  	_ =	shalt  }
0x50: {  	_ =	shalt  }
0x51: {  	_ =	shalt  }
0x52: {  	_ =	shalt  }
0x53: {  	_ =	shalt  }
0x54: {  	_ =	shalt  }
0x55: {  	_ =	shalt  }
0x56: {  	_ =	shalt  }
0x57: {  	_ =	shalt  }
0x58: {  	_ =	shalt  }
0x59: {  	_ =	shalt  }
0x5a: {  	_ =	shalt  }
0x5b: {  	_ =	shalt  }
0x5c: {  	_ =	shalt  }
0x5d: {  	_ =	shalt  }
0x5e: {  	_ =	shalt  }
0x5f: {  	_ =	shalt  }
0x60: {  	_ =	shalt  }
0x61: {  	_ =	shalt  }
0x62: {  	_ =	shalt  }
0x63: {  	_ =	shalt  }
0x64: {  	_ =	shalt  }
0x65: {  	_ =	shalt  }
0x66: {  	_ =	shalt  }
0x67: {  	_ =	shalt  }
0x68: {  	_ =	shalt  }
0x69: {  	_ =	shalt  }
0x6a: {  	_ =	shalt  }
0x6b: {  	_ =	shalt  }
0x6c: {  	_ =	shalt  }
0x6d: {  	_ =	shalt  }
0x6e: {  	_ =	shalt  }
0x6f: {  	_ =	shalt  }
0x70: {  	_ =	shalt  }
0x71: {  	_ =	shalt  }
0x72: {  	_ =	shalt  }
0x73: {  	_ =	shalt  }
0x74: {  	_ =	shalt  }
0x75: {  	_ =	shalt  }
0x76: {  	_ =	shalt  }
0x77: {  	_ =	shalt  }
0x78: {  	_ =	shalt  }
0x79: {  	_ =	shalt  }
0x7a: {  	_ =	shalt  }
0x7b: {  	_ =	shalt  }
0x7c: {  	_ =	shalt  }
0x7d: {  	_ =	shalt  }
0x7e: {  	_ =	shalt  }
0x7f: {  	_ =	shalt  }
0x80: {  	_ =	shalt  }
0x81: {  	_ =	shalt  }
0x82: {  	_ =	shalt  }
0x83: {  	_ =	shalt  }
0x84: {  	_ =	shalt  }
0x85: {  	_ =	shalt  }
0x86: {  	_ =	shalt  }
0x87: {  	_ =	shalt  }
.Lfunc_end0:
.L_simem_size_0:
called_computation_lowered:
.L_overlay_start_0:
0x88: {  	s2 =	sld [smem:$0x3FD9]  }
0x89: {  	s3 =	sld [smem:$0x3FFE];
	_ =	sdelay $0x1  }
0x8a: {  	s1 =	srdreg.scid  }
0x8b: {  	s0 =	sand.u32 $0x1, s1  }
0x8c: {  	s17 =	sshll.u32 s0, $0xA;
	s2 =	sadd.s32 s3, s2  }
0x8d: {  	s2 =	sadd.s32 s2, s17  }
0x8e: {  	[smem:$0x3FC4] =	sst s2  }
0x8f: {  	_ = 	snop  }
0x90: {  	s2 =	sld [smem:$0x3FD0];
	(tm) =	ssettm $0x1  }
0x91: {  	s18 =	sld [smem:$0x3FFB];
	_ =	sdelay $0x3  }
0x92: {  	_ =	strace s18  }
0x93: {  	s3 =	sld [smem:$0x3FFC];
	_ =	sdelay $0x3  }
0x94: {  	_ =	strace s3  }
0x95: {  	s3 =	sld [smem:$0x3FFD];
	_ =	sdelay $0x3  }
0x96: {  	_ =	strace s3  }
0x97: {  	_ =	strace $0x8FFFFFFF  }
0x98: {  	s19 =	sld [smem:$0x3FDB];
	_ =	sdelay $0x1  }
0x99: {  	s4 =	simm.s32 $_scs_section_size  }
0x9a: {  	s5 =	simm.s32 $_size__tile_overlayer_lowered;
	s6 =	simm.s32 $_tile_overlayer_lowered  }
0x9b: {  	s22 =	simm.s32 $0x1BFF;
	s21 =	sshll.u32 s6, $0x1;
	s3 =	sadd.s32 s4, s19  }
0x9c: {  	s7 =	simm.s32 $0x0;
	s20 =	sshll.u32 s5, $0x1;
	s5 =	sadd.s32 s21, s3  }
0x9d: {  	[timem:s7], [sflag:s22] =	dma.local [hbm:s5], s20  }
0x9e: {  	_ =	swait.ge [sflag:s22], s20  }
0x9f: {  	s4 =	ssub.s32 $0x0, s20;
	[sflag:s22] =	ssyncset.done $0x0  }
0xa0: {  	[sflag:s22] =	ssyncadd.s32 s4;
	_ =	sdelay $0x1  }
0xa1: {  	s23 =	simm.s32 $0x1B8B  }
0xa2: {  	_ =	swait.ge [sflag:s23], $0x1  }
0xa3: {  	[sflag:s23] =	ssyncset.done $0x0  }
0xa4: {  	s25 =	simm.s32 $0x1B8E;
	s24 =	sld [smem:$0x3FFE];
	[sflag:s23] =	ssyncadd.s32 $0xFFFFFFFF  }
0xa5: {  	s26 =	simm.s32 $execute0_lowered;
	[smem:$0x3FD2] =	sst s25  }
0xa6: {  	s5 =	sshll.u32 s26, $0x1;
	_ =	strace $0x80000046;
	[dreg:$0x1] =	wrdreg $0xFFFFFFFF  }
0xa7: {  	s28 =	simm.s32 $_size_execute0_lowered;
	s3 =	sadd.s32 s3, s5;
	[dreg:$0x0] =	wrdreg $0x0  }
0xa8: {  	s5 =	sshll.u32 s28, $0x1;
	[dreg:$0x2] =	wrdreg s3  }
0xa9: {  	[dreg:$0x3] =	wrdreg s5  }
0xaa: {  	[dreg:$0x4] =	wrdreg $0xC0  }
0xab: {  	_ =	task [dreg:s7], $0x5FFFF  }
0xac: {  	[dreg:$0x1] =	wrdreg $0xFFFFFFFF  }
0xad: {  	[dreg:$0x0] =	wrdreg $0x60  }
0xae: {  	[dreg:$0x2] =	wrdreg s24  }
0xaf: {  	[dreg:$0x3] =	wrdreg s2  }
0xb0: {  	[dreg:$0x4] =	wrdreg $0xC7800  }
0xb1: {  	[dreg:$0x5] =	wrdreg $0x9  }
0xb2: {  	_ =	task.clear_ibuf [dreg:s7], $0x6FFFF;
	_ =	strace $0x90000046  }
0xb3: {  	s29 =	simm.s32 $0x9;
	_ =	strace $0x80000048  }
0xb4: {  	_ =	swait.ge [sflag:s29], $0x1  }
0xb5: {  	[sflag:s29] =	ssyncadd.s32 $0xFFFFFFFF  }
0xb6: {  	_ =	strace $0x90000048  }
0xb7: {  	_ =	sfence  }
0xb8: {  	s30 =	sld [smem:$0x0];
	_ =	sdelay $0x2  }
0xb9: {  	s31 =	sshll.u32 s1, $0xD;
	s1 =	sshrl.u32 s1, $0x2  }
0xba: {  	s3 =	sand.u32 $0x4000, s31;
	s1 =	sadd.s32 s1, s30  }
0xbb: {  	s0 =	sor.u32 s3, s0;
	s1 =	sshll.u32 s1, $0x11  }
0xbc: {  	s0 =	sor.u32 s1, s0  }
0xbd: {  	s0 =	sadd.s32 $0x8F2B, s0  }
0xbe: {  	[sflag:s0] =	ssyncadd.remote.s32 $0x1  }
0xbf: {  	_ =	sfence.sel $0xFFFF  }
0xc0: {  	[dreg:$0x0] =	wrdreg $0xFFFFFFFF;
	(pc) =	sbr.abs _section_cstart, $3  }
0xc1: {  	[dreg:$0x1] =	wrdreg $0xFFFFFFFF  }
0xc2: {  	_ =	task.clear_ibuf [dreg:s7], $0x2FFFF;
	_ =	strace $0x9FFFFFFF  }
0xc3: {  	(tm) =	ssettm $0x7FFFFFFF  }
tec
execute0_lowered:
.L_overlay_start_1:
0x0: {  	(tag) =	ssettag $0x1  }
0x1: {  	s0 =	rddreg [dreg:$0x0]  }
0x2: {  	s2 =	rddreg [dreg:$0x1]  }
0x3: {  	s3 =	rddreg [dreg:$0x2];
	s11 =	stileid.u32  }
0x4: {  	s1 =	srdreg.scid;
	s4 =	simm.s32 $0x0;
	s15 =	simm.s32 $0x5  }
0x5: {  	s16 =	simm.s32 $0x50;
	s17 =	simm.s32 $0x2780;
	s18 =	simm.s32 $0x2  }
0x6: {  	s19 =	simm.s32 $0x4F80;
	s20 =	simm.s32 $0x6;
	s21 =	simm.s32 $0x7780  }
0x7: {  	s22 =	simm.s32 $0x3;
	s23 =	simm.s32 $0x7;
	s24 =	simm.s32 $0x4  }
0x8: {  	s25 =	simm.s32 $0x9F80;
	s26 =	simm.s32 $0x8;
	s28 =	simm.s32 $0x1  }
0x9: {  	s29 =	simm.s32 $0x0;
	s1 =	sand.u32 $0x1, s1;
	s6 =	smul.u32 $0x2700, s11  }
0xa: {  	s5 =	sshll.u32 s11, $0x1;
	[smem:$0x7FF] =	sst s4;
	s8 =	smul.u32 $0x4E000, s11  }
0xb: {  	s30 =	smul.u32 $0x4E200, s11;
	p0 =	seq.s32 s11, $0xF;
	s5 =	sor.u32 s1, s5  }
0xc: {  	_ =	strace $0x80000047;
	s7 =	ssub.s32 $0x2, s1;
	s1 =	smul.u32 $0x27100, s1  }
0xd: {  	s5 =	smul.u32 $0x2710, s5;
	s6 =	sadd.s32 s6, s0;
	s10 =	sshrl.u32 s7, $0x1  }
0xe: {  	s8 =	sshrl.u32 s8, $0x2;
	s31 =	sadd.s32 s30, s2;
	s7 =	ssub.s32 s7, s10  }
0xf: {  	s10 =	sadd.s32 s8, s3;
	s6 =	sadd.s32 $0x1200, s6;
	s1 =	sadd.s32 s1, s31  }
.Ltmp0:
0x10: {  	s9 =	sshrl.u32 s5, $0x3;
	[dreg:$0x5] =	wrdreg s6;
	(pc) =	sbr.rel .LBB2_1-.Ltmp0, $4  }
0x11: {  	s6 =	sadd.s32 $0x124800, s3;
	s14 =	sshrl.u32 @!p0 s10, $0x3;
	s9 =	sadd.s32 s9, s0  }
0x12: {  	s0 =	sadd.s32 $0x25B00, s0;
	s12 =	sshrl.u32 @p0 s6, $0x3;
	s9 =	sadd.s32 $0x28400, s9  }
0x13: {  	[dreg:$0x6] =	wrdreg s0;
	s0 =	sshll.u32 @!p0 s11, $0x6;
	s11 =	simm.s32 $0x9  }
0x14: {  	[dreg:$0x4] =	wrdreg s9;
	s9 =	smax.u32 s7, $0x1;
	s13 =	sor.u32 @!p0 $0x1C09, s0  }
.LBB2_22:
0x15: {  	_ =	swait.ge [sflag:s20], $0x2800  }
0x16: {  	[sflag:s20] =	ssyncset.done $0x0  }
0x17: {  	[sflag:s20] =	ssyncadd.s32 $0xFFFFD800  }
0x18: {  	_ =	swait.ge [sflag:s23], $0x2800  }
0x19: {  	[sflag:s23] =	ssyncset.done $0x0  }
0x1a: {  	s29 =	sadd.s32 $0x1, s29;
	[sflag:s23] =	ssyncadd.s32 $0xFFFFD800  }
0x1b: {  	p1 =	sne.s32 s29, s9;
	_ =	swait.ge [sflag:s26], $0x2800  }
.Ltmp1:
0x1c: {  	[sflag:s26] =	ssyncset.done $0x0;
	(pc) =	sbr.rel @!p1 .LBB2_23-.Ltmp1, $4  }
0x1d: {  	[sflag:s26] =	ssyncadd.s32 $0xFFFFD800  }
0x1e: {  	_ =	swait.ge [sflag:s15], $0x2800  }
0x1f: {  	[sflag:s15] =	ssyncset.done $0x0  }
0x20: {  	[sflag:s15] =	ssyncadd.s32 $0xFFFFD800  }
.LBB2_1:
0x21: {  	s0 =	rddreg [dreg:$0x4]  }
0x22: {  	[tilespmem:s4], [sflag:$0x9] =	stream.linear.gather [hbm4b:s0+s4], $0x2710, $0x38;
	v63 =	vld [tilespmem:$0x0]  }
0x23: {  	_ =	swait.ge [sflag:s11], $0x2710  }
0x24: {  	[sflag:s11] =	ssyncset.done $0x0  }
0x25: {  	s0 =	simm.s32 @p0 $0x1FC9;
	s6 =	rddreg [dreg:$0x6];
	[sflag:s11] =	ssyncadd.s32 $0xFFFFD8F0  }
0x26: {  	[spmem:s12], [sflag:s0] =	dma.local @p0 [hbm:s6], $0x2800  }
0x27: {  	s0 =	simm.s32 @p0 $0x9  }
0x28: {  	_ =	swait.ge @p0 [sflag:s0], $0x2800  }
0x29: {  	[sflag:s0] =	ssyncset.done @p0 $0x0  }
0x2a: {  	[sflag:s0] =	ssyncadd.s32 @p0 $0xFFFFD800;
	s0 =	rddreg [dreg:$0x5]  }
0x2b: {  	[spmem:s14], [sflag:s13] =	dma.local @!p0 [hbm:s0], $0x2700  }
0x2c: {  	s0 =	simm.s32 @!p0 $0x9  }
.Ltmp2:
0x2d: {  	_ =	swait.ge @!p0 [sflag:s0], $0x2700;
	(pc) =	sbr.rel .LBB2_2-.Ltmp2, $4  }
0x2e: {  	[sflag:s0] =	ssyncset.done @!p0 $0x0  }
0x2f: {  	[sflag:s0] =	ssyncadd.s32 @!p0 $0xFFFFD900  }
0x30: {  	s30 =	simm.s32 $0xFFFFFF10;
	s31 =	simm.s32 $0x0;
	[bflag:$0x0] =	sbarrier.arrive $0xFFFF  }
0x31: {  	s10 =	smov.u32 s1;
	s6 =	simm.s32 $0x0;
	s0 =	simm.s32 $0x3  }
.LBB2_18:
0x32: {  	_ =	swait.ge [sflag:s26], $0x2800  }
0x33: {  	[sflag:s26] =	ssyncset.done $0x0  }
0x34: {  	[sflag:s26] =	ssyncadd.s32 $0xFFFFD800  }
.LBB2_20:
0x35: {  	s7 =	sadd.s32 $0xF0, s31  }
0x36: {  	[tilespmem:s25], [sflag:$0x4] =	stream.indirect.gather [spmem:s3], $0x80, s7, s16, $0xb8;
	v63 =	vld [tilespmem:$0x0]  }
.LBB2_21:
0x37: {  	s0 =	sadd.s32 $0x4, s0  }
0x38: {  	p1 =	sne.s32 s0, $0x83  }
.Ltmp3:
0x39: {  	_ =	swait.ge [sflag:s28], $0x2800;
	(pc) =	sbr.rel @!p1 .LBB2_22-.Ltmp3, $4  }
0x3a: {  	[sflag:s28] =	ssyncset.done $0x0  }
0x3b: {  	s6 =	sadd.s32 $0x1, s6;
	[sflag:s28] =	ssyncadd.s32 $0xFFFFD800  }
0x3c: {  	[hbm4b:s10+s4] =	stream.linear.scatter [tilespmem:s17], [sflag:$0x5], $0x2800, $0x38;
	v63 =	vld [tilespmem:$0x0]  }
0x3d: {  	s31 =	sadd.s32 $0x140, s31;
	s30 =	sadd.s32 $0x140, s30;
	s10 =	sadd.s32 $0x1400, s10  }
.LBB2_2:
0x3e: {  	s7 =	sadd.s32 $0xFFFFFFF9, s0  }
0x3f: {  	p1 =	sgt.u32 s7, $0x78  }
.Ltmp4:
0x40: {  	_ = 	snop;
	(pc) =	sbr.rel @p1 .LBB2_4-.Ltmp4, $1  }
0x41: {  	_ =	sdelay $0x3  }
.Ltmp5:
0x42: {  	(pc) =	sbr.rel .LBB2_5-.Ltmp5, $4  }
0x43: {  	_ =	swait.ge [sflag:s15], $0x2800  }
0x44: {  	[sflag:s15] =	ssyncset.done $0x0  }
0x45: {  	s7 =	smov.u32 s30;
	[sflag:s15] =	ssyncadd.s32 $0xFFFFD800  }
0x46: {  	[tilespmem:s17], [sflag:$0x1] =	stream.indirect.gather [spmem:s3], $0x80, s31, s16, $0xb8;
	v63 =	vld [tilespmem:$0x0]  }
.LBB2_4:
0x47: {  	s7 =	sadd.s32 $0xFFFFFFFA, s0  }
0x48: {  	p1 =	sgt.u32 s7, $0x7C  }
.Ltmp6:
0x49: {  	_ = 	snop;
	(pc) =	sbr.rel @p1 .LBB2_6-.Ltmp6, $3  }
0x4a: {  	_ =	sdelay $0x1  }
0x4b: {  	[tilespmem:s17], [sflag:$0x1] =	stream.indirect.gather [spmem:s3], $0x80, s31, s16, $0xb8;
	v63 =	vld [tilespmem:$0x0]  }
0x4c: {  	s7 =	simm.s32 $0x0  }
.LBB2_5:
0x4d: {  	_ =	swait.ge [sflag:s18], $0x2800;
	s7 =	sadd.s32 s5, s7  }
0x4e: {  	[sflag:s18] =	ssyncset.done $0x0;
	s7 =	sshll.u32 s7, $0x4  }
0x4f: {  	[sflag:s18] =	ssyncadd.s32 $0xFFFFD800;
	s7 =	sadd.s32 s2, s7  }
0x50: {  	[hbm4b:s7+s4] =	stream.linear.scatter [tilespmem:s19], [sflag:$0x6], $0x2800, $0x38;
	v63 =	vld [tilespmem:$0x0]  }
.LBB2_6:
0x51: {  	s7 =	sadd.s32 $0xFFFFFFFE, s0;
	p1 =	seq.s32 s0, $0x3  }
0x52: {  	p2 =	sgt.u32 @!p1 s7, $0x7C  }
0x53: {  	p2 =	por p1, p2  }
.Ltmp7:
0x54: {  	_ = 	snop;
	(pc) =	sbr.rel @p2 .LBB2_8-.Ltmp7, $1  }
0x55: {  	_ =	sdelay $0x3  }
0x56: {  	_ =	swait.ge [sflag:s20], $0x2800  }
0x57: {  	[sflag:s20] =	ssyncset.done $0x0  }
0x58: {  	[sflag:s20] =	ssyncadd.s32 $0xFFFFD800  }
.LBB2_9:
0x59: {  	s7 =	sadd.s32 $0x50, s31  }
0x5a: {  	[tilespmem:s19], [sflag:$0x2] =	stream.indirect.gather [spmem:s3], $0x80, s7, s16, $0xb8;
	v63 =	vld [tilespmem:$0x0]  }
0x5b: {  	s7 =	sadd.s32 $0xFFFFFFFB, s0  }
0x5c: {  	p2 =	slt.u32 s7, $0x7D  }
.Ltmp8:
0x5d: {  	_ = 	snop;
	(pc) =	sbr.rel @p2 .LBB2_11-.Ltmp8, $1  }
0x5e: {  	_ =	sdelay $0x3  }
0x5f: {  	s8 =	sadd.s32 $0xFFFFFFFC, s0  }
0x60: {  	p2 =	slt.u32 s8, $0x7D  }
.Ltmp9:
0x61: {  	_ = 	snop;
	(pc) =	sbr.rel @p2 .LBB2_16-.Ltmp9, $4  }
.Ltmp10:
0x62: {  	_ = 	snop;
	(pc) =	sbr.rel @!p2 .LBB2_17-.Ltmp10, $4  }
0x63: {  	s7 =	sadd.s32 $0xA0, s31  }
0x64: {  	[tilespmem:s21], [sflag:$0x3] =	stream.indirect.gather [spmem:s3], $0x80, s7, s16, $0xb8;
	v63 =	vld [tilespmem:$0x0]  }
0x65: {  	s7 =	simm.s32 $0x0  }
0x66: {  	_ = 	snop  }
.LBB2_8:
0x67: {  	p2 =	sgt.u32 s7, $0x7C  }
.Ltmp11:
0x68: {  	_ = 	snop;
	(pc) =	sbr.rel @!p2 .LBB2_9-.Ltmp11, $2  }
0x69: {  	_ =	sdelay $0x2  }
0x6a: {  	s7 =	simm.s32 $0x7A  }
.LBB2_11:
0x6b: {  	s8 =	smul.u32 $0x50, s7;
	_ =	sdelay $0x1  }
0x6c: {  	_ =	swait.ge [sflag:s22], $0x2800;
	p3 =	sgt.u32 s7, $0x78;
	s8 =	sadd.s32 s5, s8  }
.Ltmp12:
0x6d: {  	[sflag:s22] =	ssyncset.done $0x0;
	s8 =	sshll.u32 s8, $0x4;
	(pc) =	sbr.rel @p3 .LBB2_14-.Ltmp12, $4  }
0x6e: {  	[sflag:s22] =	ssyncadd.s32 $0xFFFFD800;
	s8 =	sadd.s32 s2, s8  }
0x6f: {  	[hbm4b:s8+s4] =	stream.linear.scatter [tilespmem:s21], [sflag:$0x7], $0x2800, $0x38;
	v63 =	vld [tilespmem:$0x0]  }
0x70: {  	s8 =	sadd.s32 $0xFFFFFFFF, s0  }
0x71: {  	p2 =	slt.u32 s8, $0x7D  }
.Ltmp13:
0x72: {  	(pc) =	sbr.rel @p2 .LBB2_13-.Ltmp13, $4  }
0x73: {  	_ = 	snop  }
0x74: {  	_ =	swait.ge [sflag:s23], $0x2800  }
0x75: {  	[sflag:s23] =	ssyncset.done $0x0  }
0x76: {  	[sflag:s23] =	ssyncadd.s32 $0xFFFFD800  }
.LBB2_15:
.Ltmp14:
0x77: {  	(pc) =	sbr.rel .LBB2_16-.Ltmp14, $3  }
0x78: {  	_ =	sdelay $0x1  }
0x79: {  	s7 =	sshll.u32 s6, $0x2  }
0x7a: {  	s7 =	sadd.s32 $0xFFFFFFFF, s7  }
.LBB2_14:
.Ltmp15:
0x7b: {  	(pc) =	sbr.rel @!p2 .LBB2_15-.Ltmp15, $1  }
0x7c: {  	_ =	sdelay $0x3  }
.LBB2_13:
0x7d: {  	s7 =	sadd.s32 $0xA0, s31  }
0x7e: {  	[tilespmem:s21], [sflag:$0x3] =	stream.indirect.gather [spmem:s3], $0x80, s7, s16, $0xb8;
	v63 =	vld [tilespmem:$0x0]  }
0x7f: {  	s7 =	sadd.s32 $0xFFFFFFFC, s0  }
.LBB2_16:
0x80: {  	s7 =	smul.u32 $0x50, s7;
	_ =	sdelay $0x1  }
0x81: {  	_ =	swait.ge [sflag:s24], $0x2800;
	s7 =	sadd.s32 s5, s7  }
0x82: {  	[sflag:s24] =	ssyncset.done $0x0;
	s7 =	sshll.u32 s7, $0x4  }
0x83: {  	[sflag:s24] =	ssyncadd.s32 $0xFFFFD800;
	s7 =	sadd.s32 s2, s7  }
0x84: {  	[hbm4b:s7+s4] =	stream.linear.scatter [tilespmem:s25], [sflag:$0x8], $0x2800, $0x38;
	v63 =	vld [tilespmem:$0x0]  }
.LBB2_17:
0x85: {  	p2 =	sgt.u32 @!p1 s0, $0x7C  }
0x86: {  	p1 =	por p1, p2  }
.Ltmp16:
0x87: {  	_ = 	snop;
	(pc) =	sbr.rel @!p1 .LBB2_18-.Ltmp16, $1  }
0x88: {  	_ =	sdelay $0x3  }
0x89: {  	p1 =	sgt.u32 s0, $0x7C  }
.Ltmp17:
0x8a: {  	_ = 	snop;
	(pc) =	sbr.rel @p1 .LBB2_21-.Ltmp17, $4  }
.Ltmp18:
0x8b: {  	_ = 	snop;
	(pc) =	sbr.rel @!p1 .LBB2_20-.Ltmp18, $4  }
0x8c: {  	_ = 	snop  }
0x8d: {  	_ = 	snop  }
0x8e: {  	_ = 	snop  }
0x8f: {  	_ = 	snop  }
.LBB2_23:
0x90: {  	_ =	sfence.sel $0x180000  }
0x91: {  	[bflag:$0x0] =	sbarrier.arrive $0xFFFF  }
0x92: {  	_ =	strace $0x90000047  }
0x93: {  	s0 =	stileid.u32;
	[bflag:$0x2] =	sbarrier.arrive $0xFFFF  }
0x94: {  	p0 =	sne.s32 s0, $0x0;
	s0 =	rddreg [dreg:$0x3]  }
0x95: {  	s0 =	sadd.s32 @!p0 $0x100000, s0  }
0x96: {  	[sflag:s0] =	ssyncadd.tile.s32 @!p0 $0x1;
	_ =	shalt  }
.Lfunc_end2:
_tile_overlayer_lowered:
.L_overlay_start_2:
0x97: {  	(tag) =	ssettag $0x2  }
0x98: {  	s0 =	rddreg [dreg:$0x0];
	s2 =	stileid.u32  }
0x99: {  	s1 =	rddreg [dreg:$0x1];
	p0 =	sne.s32 s2, $0x0  }
0x9a: {  	s3 =	rddreg [dreg:$0x2];
	[bflag:$0x3] =	sbarrier.arrive $0xFFFF;
	s2 =	simm.s32 @!p0 $0x1C09  }
0x9b: {  	[timem:s3], [sflag:s2] =	dma.local @!p0 [hbm:s0], s1  }
0x9c: {  	s0 =	simm.s32 @!p0 $0x9  }
0x9d: {  	_ =	swait.ge @!p0 [sflag:s0], s1  }
0x9e: {  	s1 =	ssub.s32 @!p0 $0x0, s1;
	[sflag:s0] =	ssyncset.done @!p0 $0x0  }
0x9f: {  	[sflag:s0] =	ssyncadd.s32 @!p0 s1  }
0xa0: {  	[bflag:$0x3] =	sbarrier.arrive $0xFFFF  }
0xa1: {  	_ =	shalt  }

</sc_bundles>
